<compile_context>
chip_gen: v7x
topology: tpu7x:2x2x1
jax: 0.10.2.dev20260603
libtpu: 0.0.44.dev20260713+nightly
codegen_flags: <defaults>
</compile_context>

<pallas_src>
import functools

import jax
import jax.numpy as jnp
from jax import lax
from jax.experimental import pallas as pl
from jax.experimental.pallas import tpu as pltpu
from jax.experimental.pallas import tpu_sc as plsc

_B = 16384
_J = 16
_K = 64
_NC = 2
_NS = 16
_NW = _NC * _NS
_BPW = _B // _NW
_EPW = _BPW * _J
_CH = 128
_NG = _EPW // _CH


def _sc_gather(xflat, idx0, idx2):
  mesh = plsc.VectorSubcoreMesh(core_axis_name="c", subcore_axis_name="s")

  @functools.partial(
      pl.kernel,
      mesh=mesh,
      out_type=jax.ShapeDtypeStruct((_B * _J,), jnp.float32),
      scratch_types=[
          pltpu.VMEM((_BPW,), jnp.int32),
          pltpu.VMEM((_BPW,), jnp.int32),
          pltpu.VMEM((_EPW,), jnp.int32),
          pltpu.VMEM((_EPW,), jnp.float32),
          pltpu.SemaphoreType.DMA,
      ],
  )
  def k(x_hbm, idx0_hbm, idx2_hbm, out_hbm, i0_v, i2_v, ib_v, o_v, sem):
    wid = lax.axis_index("s") * _NC + lax.axis_index("c")
    base = wid * _BPW
    pltpu.sync_copy(idx0_hbm.at[pl.ds(base, _BPW)], i0_v)
    pltpu.sync_copy(idx2_hbm.at[pl.ds(base, _BPW)], i2_v)

    lane = lax.iota(jnp.int32, 16)

    def build(c, carry):
      fb = i0_v[pl.ds(c * 16, 16)] * (_J * _K) + i2_v[pl.ds(c * 16, 16)]
      for r in range(16):
        ib_v[pl.ds(c * (16 * _J) + r * _J, _J)] = fb[r] + _K * lane
      return carry

    lax.fori_loop(0, _BPW // 16, build, 0)

    pltpu.async_copy(x_hbm.at[ib_v], o_v, sem).wait()

    pltpu.sync_copy(o_v, out_hbm.at[pl.ds(wid * _EPW, _EPW)])

  return k(xflat, idx0, idx2)


def kernel(x, idx0, idx2):
  xflat = jnp.reshape(x, (-1,))
  out = _sc_gather(xflat, idx0.astype(jnp.int32), idx2.astype(jnp.int32))
  return jnp.reshape(out, (_B, _J))

# --- scband reference (transcript-rebuilt; emitter-appended) ---
"""Pipeline reference for scband-separated-advanced-index-model-12309376270729 (READ-ONLY COPY).

The authoritative reference and input builder live on the scoring server;
editing this copy changes nothing except your own understanding.
"""

import jax, jax.numpy as jnp
import numpy as np


def setup_inputs(seed: int = 0) -> dict:
    key = jax.random.key(seed)
    k1, k2, k3 = jax.random.split(key, 3)
    x = jax.random.normal(k1, (100000, 16, 64), dtype=jnp.float32)
    idx0 = jax.random.randint(k2, (16384,), 0, 100000, dtype=jnp.int64 if jax.config.jax_enable_x64 else jnp.int32)
    idx2 = jax.random.randint(k3, (16384,), 0, 64, dtype=jnp.int64 if jax.config.jax_enable_x64 else jnp.int32)
    return {"x": x, "idx0": idx0, "idx2": idx2}


def reference(x, idx0, idx2):
    # Faithful translation of: return x[idx0, :, idx2]
    # Advanced indexing on axes 0 and 2 with a sliced middle axis.
    # Output shape: [len(idx0), x.shape[1]]
    return x[idx0, :, idx2]

if __name__ == "__main__":
    import jax
    _d = setup_inputs()
    print(jax.jit(kernel)(*tuple(_d.values())))

</pallas_src>

<mosaic_0001>
#map = affine_map<(d0, d1) -> (0)>
module attributes {stable_mosaic.version = 14 : i64} {
  func.func @k(%arg0: i32, %arg1: i32, %arg2: memref<102400000xf32, #tpu.memory_space<hbm>>, %arg3: memref<16384xi32, #tpu.memory_space<hbm>>, %arg4: memref<16384xi32, #tpu.memory_space<hbm>>, %arg5: memref<262144xf32, #tpu.memory_space<hbm>>, %arg6: memref<512xi32, #tpu.memory_space<vmem>>, %arg7: memref<512xi32, #tpu.memory_space<vmem>>, %arg8: memref<8192xi32, #tpu.memory_space<vmem>>, %arg9: memref<8192xf32, #tpu.memory_space<vmem>>, %arg10: memref<!tpu.dma_semaphore, #tpu.memory_space<semaphore_mem>>) attributes {dimension_semantics = [#tpu.dimension_semantics<core_parallel>, #tpu.dimension_semantics<subcore_parallel>], iteration_bounds = array<i64: 2, 16>, scalar_prefetch = 0 : i64, scratch_operands = 5 : i64, tpu.core_type = #tpu.core_type<sc_vector_subcore>, window_params = [{transform_indices = #map}, {transform_indices = #map}, {transform_indices = #map}, {transform_indices = #map}]} {
    %mul3A = arith.constant 2 : i32
    %mul3A_0 = arith.muli %arg1, %mul3A : i32
    %add3A = arith.addi %mul3A_0, %arg0 : i32
    %mul3A_1 = arith.constant 512 : i32
    %mul3A_2 = arith.muli %add3A, %mul3A_1 : i32
    "tpu.region"() ({
      %run_scoped3A = tpu.sem_alloc : memref<!tpu.dma_semaphore, #tpu.memory_space<semaphore_mem>>
      %dma_start3A_12 = tpu.memref_slice %arg3[%mul3A_2] : memref<16384xi32, #tpu.memory_space<hbm>> -> memref<512xi32, #tpu.memory_space<hbm>>
      %dma_start3A_13 = tpu.memref_slice %arg3[%mul3A_2] : memref<16384xi32, #tpu.memory_space<hbm>> -> memref<512xi32, #tpu.memory_space<hbm>>
      tpu.enqueue_dma source(%dma_start3A_13 : memref<512xi32, #tpu.memory_space<hbm>>) target(%arg6 : memref<512xi32, #tpu.memory_space<vmem>>) target_semaphore(%run_scoped3A : memref<!tpu.dma_semaphore, #tpu.memory_space<semaphore_mem>>)
      %dma_wait3A_14 = tpu.memref_slice %arg3[%mul3A_2] : memref<16384xi32, #tpu.memory_space<hbm>> -> memref<512xi32, #tpu.memory_space<hbm>>
      %dma_wait3A_15 = tpu.memref_slice %arg3[%mul3A_2] : memref<16384xi32, #tpu.memory_space<hbm>> -> memref<512xi32, #tpu.memory_space<hbm>>
      tpu.wait_dma2 semaphore(%run_scoped3A : memref<!tpu.dma_semaphore, #tpu.memory_space<semaphore_mem>>) src(%dma_wait3A_15 : memref<512xi32, #tpu.memory_space<hbm>>) dst(%arg6 : memref<512xi32, #tpu.memory_space<vmem>>)
      tpu.yield
    }) : () -> ()
    "tpu.region"() ({
      %run_scoped3A = tpu.sem_alloc : memref<!tpu.dma_semaphore, #tpu.memory_space<semaphore_mem>>
      %dma_start3A_12 = tpu.memref_slice %arg4[%mul3A_2] : memref<16384xi32, #tpu.memory_space<hbm>> -> memref<512xi32, #tpu.memory_space<hbm>>
      %dma_start3A_13 = tpu.memref_slice %arg4[%mul3A_2] : memref<16384xi32, #tpu.memory_space<hbm>> -> memref<512xi32, #tpu.memory_space<hbm>>
      tpu.enqueue_dma source(%dma_start3A_13 : memref<512xi32, #tpu.memory_space<hbm>>) target(%arg7 : memref<512xi32, #tpu.memory_space<vmem>>) target_semaphore(%run_scoped3A : memref<!tpu.dma_semaphore, #tpu.memory_space<semaphore_mem>>)
      %dma_wait3A_14 = tpu.memref_slice %arg4[%mul3A_2] : memref<16384xi32, #tpu.memory_space<hbm>> -> memref<512xi32, #tpu.memory_space<hbm>>
      %dma_wait3A_15 = tpu.memref_slice %arg4[%mul3A_2] : memref<16384xi32, #tpu.memory_space<hbm>> -> memref<512xi32, #tpu.memory_space<hbm>>
      tpu.wait_dma2 semaphore(%run_scoped3A : memref<!tpu.dma_semaphore, #tpu.memory_space<semaphore_mem>>) src(%dma_wait3A_15 : memref<512xi32, #tpu.memory_space<hbm>>) dst(%arg7 : memref<512xi32, #tpu.memory_space<vmem>>)
      tpu.yield
    }) : () -> ()
    %iota3A = tpu.iota {dimensions = array<i32: 0>} : vector<16xi32>
    %scan3A = arith.constant 0 : i32
    %scan3A_3 = arith.constant 0 : i32
    %scan3A_4 = arith.constant 32 : i32
    %scan3A_5 = arith.addi %scan3A_3, %scan3A_4 : i32
    %scan3A_6 = arith.constant 1 : i32
    scf.for %scan3A_12 = %scan3A_3 to %scan3A_5 step %scan3A_6  : i32 {
      %mul3A_13 = arith.constant 16 : i32
      %mul3A_14 = arith.muli %scan3A_12, %mul3A_13 : i32
      %get3A = arith.index_cast %mul3A_14 : i32 to index
      %get3A_15 = tpu.vector_load %arg6[%get3A] {strides = array<i32>} : memref<512xi32, #tpu.memory_space<vmem>>, vector<16xi32>,
      %get3A_16 = vector.shape_cast %get3A_15 : vector<16xi32> to vector<16xi32>
      %mul3A_17 = arith.constant 1024 : i32
      %mul3A_18 = vector.broadcast %mul3A_17 : i32 to vector<16xi32>
      %mul3A_19 = arith.muli %get3A_16, %mul3A_18 : vector<16xi32>
      %mul3A_20 = arith.constant 16 : i32
      %mul3A_21 = arith.muli %scan3A_12, %mul3A_20 : i32
      %get3A_22 = arith.index_cast %mul3A_21 : i32 to index
      %get3A_23 = tpu.vector_load %arg7[%get3A_22] {strides = array<i32>} : memref<512xi32, #tpu.memory_space<vmem>>, vector<16xi32>,
      %get3A_24 = vector.shape_cast %get3A_23 : vector<16xi32> to vector<16xi32>
      %add3A_25 = arith.addi %mul3A_19, %get3A_24 : vector<16xi32>
      %slice3A = vector.extract_strided_slice %add3A_25 {offsets = [0], sizes = [1], strides = [1]} : vector<16xi32> to vector<1xi32>
      %squeeze3A = vector.extract %slice3A[0] : i32 from vector<1xi32>
      %mul3A_26 = arith.constant 64 : i32
      %mul3A_27 = vector.broadcast %mul3A_26 : i32 to vector<16xi32>
      %mul3A_28 = arith.muli %mul3A_27, %iota3A : vector<16xi32>
      %add3A_29 = vector.broadcast %squeeze3A : i32 to vector<16xi32>
      %add3A_30 = arith.addi %add3A_29, %mul3A_28 : vector<16xi32>
      %mul3A_31 = arith.constant 256 : i32
      %mul3A_32 = arith.muli %scan3A_12, %mul3A_31 : i32
      %add3A_33 = arith.constant 0 : i32
      %add3A_34 = arith.addi %mul3A_32, %add3A_33 : i32
      %swap3A = arith.index_cast %add3A_34 : i32 to index
      %swap3A_35 = tpu.vector_load %arg8[%swap3A] {strides = array<i32>} : memref<8192xi32, #tpu.memory_space<vmem>>, vector<16xi32>,
      %swap3A_36 = vector.shape_cast %swap3A_35 : vector<16xi32> to vector<16xi32>
      %swap3A_37 = vector.shape_cast %add3A_30 : vector<16xi32> to vector<16xi32>
      tpu.vector_store %arg8[%swap3A], %swap3A_37 {strides = array<i32>} : memref<8192xi32, #tpu.memory_space<vmem>>, vector<16xi32>,
      %slice3A_38 = vector.extract_strided_slice %add3A_25 {offsets = [1], sizes = [1], strides = [1]} : vector<16xi32> to vector<1xi32>
      %squeeze3A_39 = vector.extract %slice3A_38[0] : i32 from vector<1xi32>
      %mul3A_40 = arith.constant 64 : i32
      %mul3A_41 = vector.broadcast %mul3A_40 : i32 to vector<16xi32>
      %mul3A_42 = arith.muli %mul3A_41, %iota3A : vector<16xi32>
      %add3A_43 = vector.broadcast %squeeze3A_39 : i32 to vector<16xi32>
      %add3A_44 = arith.addi %add3A_43, %mul3A_42 : vector<16xi32>
      %mul3A_45 = arith.constant 256 : i32
      %mul3A_46 = arith.muli %scan3A_12, %mul3A_45 : i32
      %add3A_47 = arith.constant 16 : i32
      %add3A_48 = arith.addi %mul3A_46, %add3A_47 : i32
      %swap3A_49 = arith.index_cast %add3A_48 : i32 to index
      %swap3A_50 = tpu.vector_load %arg8[%swap3A_49] {strides = array<i32>} : memref<8192xi32, #tpu.memory_space<vmem>>, vector<16xi32>,
      %swap3A_51 = vector.shape_cast %swap3A_50 : vector<16xi32> to vector<16xi32>
      %swap3A_52 = vector.shape_cast %add3A_44 : vector<16xi32> to vector<16xi32>
      tpu.vector_store %arg8[%swap3A_49], %swap3A_52 {strides = array<i32>} : memref<8192xi32, #tpu.memory_space<vmem>>, vector<16xi32>,
      %slice3A_53 = vector.extract_strided_slice %add3A_25 {offsets = [2], sizes = [1], strides = [1]} : vector<16xi32> to vector<1xi32>
      %squeeze3A_54 = vector.extract %slice3A_53[0] : i32 from vector<1xi32>
      %mul3A_55 = arith.constant 64 : i32
      %mul3A_56 = vector.broadcast %mul3A_55 : i32 to vector<16xi32>
      %mul3A_57 = arith.muli %mul3A_56, %iota3A : vector<16xi32>
      %add3A_58 = vector.broadcast %squeeze3A_54 : i32 to vector<16xi32>
      %add3A_59 = arith.addi %add3A_58, %mul3A_57 : vector<16xi32>
      %mul3A_60 = arith.constant 256 : i32
      %mul3A_61 = arith.muli %scan3A_12, %mul3A_60 : i32
      %add3A_62 = arith.constant 32 : i32
      %add3A_63 = arith.addi %mul3A_61, %add3A_62 : i32
      %swap3A_64 = arith.index_cast %add3A_63 : i32 to index
      %swap3A_65 = tpu.vector_load %arg8[%swap3A_64] {strides = array<i32>} : memref<8192xi32, #tpu.memory_space<vmem>>, vector<16xi32>,
      %swap3A_66 = vector.shape_cast %swap3A_65 : vector<16xi32> to vector<16xi32>
      %swap3A_67 = vector.shape_cast %add3A_59 : vector<16xi32> to vector<16xi32>
      tpu.vector_store %arg8[%swap3A_64], %swap3A_67 {strides = array<i32>} : memref<8192xi32, #tpu.memory_space<vmem>>, vector<16xi32>,
      %slice3A_68 = vector.extract_strided_slice %add3A_25 {offsets = [3], sizes = [1], strides = [1]} : vector<16xi32> to vector<1xi32>
      %squeeze3A_69 = vector.extract %slice3A_68[0] : i32 from vector<1xi32>
      %mul3A_70 = arith.constant 64 : i32
      %mul3A_71 = vector.broadcast %mul3A_70 : i32 to vector<16xi32>
      %mul3A_72 = arith.muli %mul3A_71, %iota3A : vector<16xi32>
      %add3A_73 = vector.broadcast %squeeze3A_69 : i32 to vector<16xi32>
      %add3A_74 = arith.addi %add3A_73, %mul3A_72 : vector<16xi32>
      %mul3A_75 = arith.constant 256 : i32
      %mul3A_76 = arith.muli %scan3A_12, %mul3A_75 : i32
      %add3A_77 = arith.constant 48 : i32
      %add3A_78 = arith.addi %mul3A_76, %add3A_77 : i32
      %swap3A_79 = arith.index_cast %add3A_78 : i32 to index
      %swap3A_80 = tpu.vector_load %arg8[%swap3A_79] {strides = array<i32>} : memref<8192xi32, #tpu.memory_space<vmem>>, vector<16xi32>,
      %swap3A_81 = vector.shape_cast %swap3A_80 : vector<16xi32> to vector<16xi32>
      %swap3A_82 = vector.shape_cast %add3A_74 : vector<16xi32> to vector<16xi32>
      tpu.vector_store %arg8[%swap3A_79], %swap3A_82 {strides = array<i32>} : memref<8192xi32, #tpu.memory_space<vmem>>, vector<16xi32>,
      %slice3A_83 = vector.extract_strided_slice %add3A_25 {offsets = [4], sizes = [1], strides = [1]} : vector<16xi32> to vector<1xi32>
      %squeeze3A_84 = vector.extract %slice3A_83[0] : i32 from vector<1xi32>
      %mul3A_85 = arith.constant 64 : i32
      %mul3A_86 = vector.broadcast %mul3A_85 : i32 to vector<16xi32>
      %mul3A_87 = arith.muli %mul3A_86, %iota3A : vector<16xi32>
      %add3A_88 = vector.broadcast %squeeze3A_84 : i32 to vector<16xi32>
      %add3A_89 = arith.addi %add3A_88, %mul3A_87 : vector<16xi32>
      %mul3A_90 = arith.constant 256 : i32
      %mul3A_91 = arith.muli %scan3A_12, %mul3A_90 : i32
      %add3A_92 = arith.constant 64 : i32
      %add3A_93 = arith.addi %mul3A_91, %add3A_92 : i32
      %swap3A_94 = arith.index_cast %add3A_93 : i32 to index
      %swap3A_95 = tpu.vector_load %arg8[%swap3A_94] {strides = array<i32>} : memref<8192xi32, #tpu.memory_space<vmem>>, vector<16xi32>,
      %swap3A_96 = vector.shape_cast %swap3A_95 : vector<16xi32> to vector<16xi32>
      %swap3A_97 = vector.shape_cast %add3A_89 : vector<16xi32> to vector<16xi32>
      tpu.vector_store %arg8[%swap3A_94], %swap3A_97 {strides = array<i32>} : memref<8192xi32, #tpu.memory_space<vmem>>, vector<16xi32>,
      %slice3A_98 = vector.extract_strided_slice %add3A_25 {offsets = [5], sizes = [1], strides = [1]} : vector<16xi32> to vector<1xi32>
      %squeeze3A_99 = vector.extract %slice3A_98[0] : i32 from vector<1xi32>
      %mul3A_100 = arith.constant 64 : i32
      %mul3A_101 = vector.broadcast %mul3A_100 : i32 to vector<16xi32>
      %mul3A_102 = arith.muli %mul3A_101, %iota3A : vector<16xi32>
      %add3A_103 = vector.broadcast %squeeze3A_99 : i32 to vector<16xi32>
      %add3A_104 = arith.addi %add3A_103, %mul3A_102 : vector<16xi32>
      %mul3A_105 = arith.constant 256 : i32
      %mul3A_106 = arith.muli %scan3A_12, %mul3A_105 : i32
      %add3A_107 = arith.constant 80 : i32
      %add3A_108 = arith.addi %mul3A_106, %add3A_107 : i32
      %swap3A_109 = arith.index_cast %add3A_108 : i32 to index
      %swap3A_110 = tpu.vector_load %arg8[%swap3A_109] {strides = array<i32>} : memref<8192xi32, #tpu.memory_space<vmem>>, vector<16xi32>,
      %swap3A_111 = vector.shape_cast %swap3A_110 : vector<16xi32> to vector<16xi32>
      %swap3A_112 = vector.shape_cast %add3A_104 : vector<16xi32> to vector<16xi32>
      tpu.vector_store %arg8[%swap3A_109], %swap3A_112 {strides = array<i32>} : memref<8192xi32, #tpu.memory_space<vmem>>, vector<16xi32>,
      %slice3A_113 = vector.extract_strided_slice %add3A_25 {offsets = [6], sizes = [1], strides = [1]} : vector<16xi32> to vector<1xi32>
      %squeeze3A_114 = vector.extract %slice3A_113[0] : i32 from vector<1xi32>
      %mul3A_115 = arith.constant 64 : i32
      %mul3A_116 = vector.broadcast %mul3A_115 : i32 to vector<16xi32>
      %mul3A_117 = arith.muli %mul3A_116, %iota3A : vector<16xi32>
      %add3A_118 = vector.broadcast %squeeze3A_114 : i32 to vector<16xi32>
      %add3A_119 = arith.addi %add3A_118, %mul3A_117 : vector<16xi32>
      %mul3A_120 = arith.constant 256 : i32
      %mul3A_121 = arith.muli %scan3A_12, %mul3A_120 : i32
      %add3A_122 = arith.constant 96 : i32
      %add3A_123 = arith.addi %mul3A_121, %add3A_122 : i32
      %swap3A_124 = arith.index_cast %add3A_123 : i32 to index
      %swap3A_125 = tpu.vector_load %arg8[%swap3A_124] {strides = array<i32>} : memref<8192xi32, #tpu.memory_space<vmem>>, vector<16xi32>,
      %swap3A_126 = vector.shape_cast %swap3A_125 : vector<16xi32> to vector<16xi32>
      %swap3A_127 = vector.shape_cast %add3A_119 : vector<16xi32> to vector<16xi32>
      tpu.vector_store %arg8[%swap3A_124], %swap3A_127 {strides = array<i32>} : memref<8192xi32, #tpu.memory_space<vmem>>, vector<16xi32>,
      %slice3A_128 = vector.extract_strided_slice %add3A_25 {offsets = [7], sizes = [1], strides = [1]} : vector<16xi32> to vector<1xi32>
      %squeeze3A_129 = vector.extract %slice3A_128[0] : i32 from vector<1xi32>
      %mul3A_130 = arith.constant 64 : i32
      %mul3A_131 = vector.broadcast %mul3A_130 : i32 to vector<16xi32>
      %mul3A_132 = arith.muli %mul3A_131, %iota3A : vector<16xi32>
      %add3A_133 = vector.broadcast %squeeze3A_129 : i32 to vector<16xi32>
      %add3A_134 = arith.addi %add3A_133, %mul3A_132 : vector<16xi32>
      %mul3A_135 = arith.constant 256 : i32
      %mul3A_136 = arith.muli %scan3A_12, %mul3A_135 : i32
      %add3A_137 = arith.constant 112 : i32
      %add3A_138 = arith.addi %mul3A_136, %add3A_137 : i32
      %swap3A_139 = arith.index_cast %add3A_138 : i32 to index
      %swap3A_140 = tpu.vector_load %arg8[%swap3A_139] {strides = array<i32>} : memref<8192xi32, #tpu.memory_space<vmem>>, vector<16xi32>,
      %swap3A_141 = vector.shape_cast %swap3A_140 : vector<16xi32> to vector<16xi32>
      %swap3A_142 = vector.shape_cast %add3A_134 : vector<16xi32> to vector<16xi32>
      tpu.vector_store %arg8[%swap3A_139], %swap3A_142 {strides = array<i32>} : memref<8192xi32, #tpu.memory_space<vmem>>, vector<16xi32>,
      %slice3A_143 = vector.extract_strided_slice %add3A_25 {offsets = [8], sizes = [1], strides = [1]} : vector<16xi32> to vector<1xi32>
      %squeeze3A_144 = vector.extract %slice3A_143[0] : i32 from vector<1xi32>
      %mul3A_145 = arith.constant 64 : i32
      %mul3A_146 = vector.broadcast %mul3A_145 : i32 to vector<16xi32>
      %mul3A_147 = arith.muli %mul3A_146, %iota3A : vector<16xi32>
      %add3A_148 = vector.broadcast %squeeze3A_144 : i32 to vector<16xi32>
      %add3A_149 = arith.addi %add3A_148, %mul3A_147 : vector<16xi32>
      %mul3A_150 = arith.constant 256 : i32
      %mul3A_151 = arith.muli %scan3A_12, %mul3A_150 : i32
      %add3A_152 = arith.constant 128 : i32
      %add3A_153 = arith.addi %mul3A_151, %add3A_152 : i32
      %swap3A_154 = arith.index_cast %add3A_153 : i32 to index
      %swap3A_155 = tpu.vector_load %arg8[%swap3A_154] {strides = array<i32>} : memref<8192xi32, #tpu.memory_space<vmem>>, vector<16xi32>,
      %swap3A_156 = vector.shape_cast %swap3A_155 : vector<16xi32> to vector<16xi32>
      %swap3A_157 = vector.shape_cast %add3A_149 : vector<16xi32> to vector<16xi32>
      tpu.vector_store %arg8[%swap3A_154], %swap3A_157 {strides = array<i32>} : memref<8192xi32, #tpu.memory_space<vmem>>, vector<16xi32>,
      %slice3A_158 = vector.extract_strided_slice %add3A_25 {offsets = [9], sizes = [1], strides = [1]} : vector<16xi32> to vector<1xi32>
      %squeeze3A_159 = vector.extract %slice3A_158[0] : i32 from vector<1xi32>
      %mul3A_160 = arith.constant 64 : i32
      %mul3A_161 = vector.broadcast %mul3A_160 : i32 to vector<16xi32>
      %mul3A_162 = arith.muli %mul3A_161, %iota3A : vector<16xi32>
      %add3A_163 = vector.broadcast %squeeze3A_159 : i32 to vector<16xi32>
      %add3A_164 = arith.addi %add3A_163, %mul3A_162 : vector<16xi32>
      %mul3A_165 = arith.constant 256 : i32
      %mul3A_166 = arith.muli %scan3A_12, %mul3A_165 : i32
      %add3A_167 = arith.constant 144 : i32
      %add3A_168 = arith.addi %mul3A_166, %add3A_167 : i32
      %swap3A_169 = arith.index_cast %add3A_168 : i32 to index
      %swap3A_170 = tpu.vector_load %arg8[%swap3A_169] {strides = array<i32>} : memref<8192xi32, #tpu.memory_space<vmem>>, vector<16xi32>,
      %swap3A_171 = vector.shape_cast %swap3A_170 : vector<16xi32> to vector<16xi32>
      %swap3A_172 = vector.shape_cast %add3A_164 : vector<16xi32> to vector<16xi32>
      tpu.vector_store %arg8[%swap3A_169], %swap3A_172 {strides = array<i32>} : memref<8192xi32, #tpu.memory_space<vmem>>, vector<16xi32>,
      %slice3A_173 = vector.extract_strided_slice %add3A_25 {offsets = [10], sizes = [1], strides = [1]} : vector<16xi32> to vector<1xi32>
      %squeeze3A_174 = vector.extract %slice3A_173[0] : i32 from vector<1xi32>
      %mul3A_175 = arith.constant 64 : i32
      %mul3A_176 = vector.broadcast %mul3A_175 : i32 to vector<16xi32>
      %mul3A_177 = arith.muli %mul3A_176, %iota3A : vector<16xi32>
      %add3A_178 = vector.broadcast %squeeze3A_174 : i32 to vector<16xi32>
      %add3A_179 = arith.addi %add3A_178, %mul3A_177 : vector<16xi32>
      %mul3A_180 = arith.constant 256 : i32
      %mul3A_181 = arith.muli %scan3A_12, %mul3A_180 : i32
      %add3A_182 = arith.constant 160 : i32
      %add3A_183 = arith.addi %mul3A_181, %add3A_182 : i32
      %swap3A_184 = arith.index_cast %add3A_183 : i32 to index
      %swap3A_185 = tpu.vector_load %arg8[%swap3A_184] {strides = array<i32>} : memref<8192xi32, #tpu.memory_space<vmem>>, vector<16xi32>,
      %swap3A_186 = vector.shape_cast %swap3A_185 : vector<16xi32> to vector<16xi32>
      %swap3A_187 = vector.shape_cast %add3A_179 : vector<16xi32> to vector<16xi32>
      tpu.vector_store %arg8[%swap3A_184], %swap3A_187 {strides = array<i32>} : memref<8192xi32, #tpu.memory_space<vmem>>, vector<16xi32>,
      %slice3A_188 = vector.extract_strided_slice %add3A_25 {offsets = [11], sizes = [1], strides = [1]} : vector<16xi32> to vector<1xi32>
      %squeeze3A_189 = vector.extract %slice3A_188[0] : i32 from vector<1xi32>
      %mul3A_190 = arith.constant 64 : i32
      %mul3A_191 = vector.broadcast %mul3A_190 : i32 to vector<16xi32>
      %mul3A_192 = arith.muli %mul3A_191, %iota3A : vector<16xi32>
      %add3A_193 = vector.broadcast %squeeze3A_189 : i32 to vector<16xi32>
      %add3A_194 = arith.addi %add3A_193, %mul3A_192 : vector<16xi32>
      %mul3A_195 = arith.constant 256 : i32
      %mul3A_196 = arith.muli %scan3A_12, %mul3A_195 : i32
      %add3A_197 = arith.constant 176 : i32
      %add3A_198 = arith.addi %mul3A_196, %add3A_197 : i32
      %swap3A_199 = arith.index_cast %add3A_198 : i32 to index
      %swap3A_200 = tpu.vector_load %arg8[%swap3A_199] {strides = array<i32>} : memref<8192xi32, #tpu.memory_space<vmem>>, vector<16xi32>,
      %swap3A_201 = vector.shape_cast %swap3A_200 : vector<16xi32> to vector<16xi32>
      %swap3A_202 = vector.shape_cast %add3A_194 : vector<16xi32> to vector<16xi32>
      tpu.vector_store %arg8[%swap3A_199], %swap3A_202 {strides = array<i32>} : memref<8192xi32, #tpu.memory_space<vmem>>, vector<16xi32>,
      %slice3A_203 = vector.extract_strided_slice %add3A_25 {offsets = [12], sizes = [1], strides = [1]} : vector<16xi32> to vector<1xi32>
      %squeeze3A_204 = vector.extract %slice3A_203[0] : i32 from vector<1xi32>
      %mul3A_205 = arith.constant 64 : i32
      %mul3A_206 = vector.broadcast %mul3A_205 : i32 to vector<16xi32>
      %mul3A_207 = arith.muli %mul3A_206, %iota3A : vector<16xi32>
      %add3A_208 = vector.broadcast %squeeze3A_204 : i32 to vector<16xi32>
      %add3A_209 = arith.addi %add3A_208, %mul3A_207 : vector<16xi32>
      %mul3A_210 = arith.constant 256 : i32
      %mul3A_211 = arith.muli %scan3A_12, %mul3A_210 : i32
      %add3A_212 = arith.constant 192 : i32
      %add3A_213 = arith.addi %mul3A_211, %add3A_212 : i32
      %swap3A_214 = arith.index_cast %add3A_213 : i32 to index
      %swap3A_215 = tpu.vector_load %arg8[%swap3A_214] {strides = array<i32>} : memref<8192xi32, #tpu.memory_space<vmem>>, vector<16xi32>,
      %swap3A_216 = vector.shape_cast %swap3A_215 : vector<16xi32> to vector<16xi32>
      %swap3A_217 = vector.shape_cast %add3A_209 : vector<16xi32> to vector<16xi32>
      tpu.vector_store %arg8[%swap3A_214], %swap3A_217 {strides = array<i32>} : memref<8192xi32, #tpu.memory_space<vmem>>, vector<16xi32>,
      %slice3A_218 = vector.extract_strided_slice %add3A_25 {offsets = [13], sizes = [1], strides = [1]} : vector<16xi32> to vector<1xi32>
      %squeeze3A_219 = vector.extract %slice3A_218[0] : i32 from vector<1xi32>
      %mul3A_220 = arith.constant 64 : i32
      %mul3A_221 = vector.broadcast %mul3A_220 : i32 to vector<16xi32>
      %mul3A_222 = arith.muli %mul3A_221, %iota3A : vector<16xi32>
      %add3A_223 = vector.broadcast %squeeze3A_219 : i32 to vector<16xi32>
      %add3A_224 = arith.addi %add3A_223, %mul3A_222 : vector<16xi32>
      %mul3A_225 = arith.constant 256 : i32
      %mul3A_226 = arith.muli %scan3A_12, %mul3A_225 : i32
      %add3A_227 = arith.constant 208 : i32
      %add3A_228 = arith.addi %mul3A_226, %add3A_227 : i32
      %swap3A_229 = arith.index_cast %add3A_228 : i32 to index
      %swap3A_230 = tpu.vector_load %arg8[%swap3A_229] {strides = array<i32>} : memref<8192xi32, #tpu.memory_space<vmem>>, vector<16xi32>,
      %swap3A_231 = vector.shape_cast %swap3A_230 : vector<16xi32> to vector<16xi32>
      %swap3A_232 = vector.shape_cast %add3A_224 : vector<16xi32> to vector<16xi32>
      tpu.vector_store %arg8[%swap3A_229], %swap3A_232 {strides = array<i32>} : memref<8192xi32, #tpu.memory_space<vmem>>, vector<16xi32>,
      %slice3A_233 = vector.extract_strided_slice %add3A_25 {offsets = [14], sizes = [1], strides = [1]} : vector<16xi32> to vector<1xi32>
      %squeeze3A_234 = vector.extract %slice3A_233[0] : i32 from vector<1xi32>
      %mul3A_235 = arith.constant 64 : i32
      %mul3A_236 = vector.broadcast %mul3A_235 : i32 to vector<16xi32>
      %mul3A_237 = arith.muli %mul3A_236, %iota3A : vector<16xi32>
      %add3A_238 = vector.broadcast %squeeze3A_234 : i32 to vector<16xi32>
      %add3A_239 = arith.addi %add3A_238, %mul3A_237 : vector<16xi32>
      %mul3A_240 = arith.constant 256 : i32
      %mul3A_241 = arith.muli %scan3A_12, %mul3A_240 : i32
      %add3A_242 = arith.constant 224 : i32
      %add3A_243 = arith.addi %mul3A_241, %add3A_242 : i32
      %swap3A_244 = arith.index_cast %add3A_243 : i32 to index
      %swap3A_245 = tpu.vector_load %arg8[%swap3A_244] {strides = array<i32>} : memref<8192xi32, #tpu.memory_space<vmem>>, vector<16xi32>,
      %swap3A_246 = vector.shape_cast %swap3A_245 : vector<16xi32> to vector<16xi32>
      %swap3A_247 = vector.shape_cast %add3A_239 : vector<16xi32> to vector<16xi32>
      tpu.vector_store %arg8[%swap3A_244], %swap3A_247 {strides = array<i32>} : memref<8192xi32, #tpu.memory_space<vmem>>, vector<16xi32>,
      %slice3A_248 = vector.extract_strided_slice %add3A_25 {offsets = [15], sizes = [1], strides = [1]} : vector<16xi32> to vector<1xi32>
      %squeeze3A_249 = vector.extract %slice3A_248[0] : i32 from vector<1xi32>
      %mul3A_250 = arith.constant 64 : i32
      %mul3A_251 = vector.broadcast %mul3A_250 : i32 to vector<16xi32>
      %mul3A_252 = arith.muli %mul3A_251, %iota3A : vector<16xi32>
      %add3A_253 = vector.broadcast %squeeze3A_249 : i32 to vector<16xi32>
      %add3A_254 = arith.addi %add3A_253, %mul3A_252 : vector<16xi32>
      %mul3A_255 = arith.constant 256 : i32
      %mul3A_256 = arith.muli %scan3A_12, %mul3A_255 : i32
      %add3A_257 = arith.constant 240 : i32
      %add3A_258 = arith.addi %mul3A_256, %add3A_257 : i32
      %swap3A_259 = arith.index_cast %add3A_258 : i32 to index
      %swap3A_260 = tpu.vector_load %arg8[%swap3A_259] {strides = array<i32>} : memref<8192xi32, #tpu.memory_space<vmem>>, vector<16xi32>,
      %swap3A_261 = vector.shape_cast %swap3A_260 : vector<16xi32> to vector<16xi32>
      %swap3A_262 = vector.shape_cast %add3A_254 : vector<16xi32> to vector<16xi32>
      tpu.vector_store %arg8[%swap3A_259], %swap3A_262 {strides = array<i32>} : memref<8192xi32, #tpu.memory_space<vmem>>, vector<16xi32>,
    }
    %scan3A_7 = arith.constant 32 : i32
    %dma_start3A = arith.constant 0 : i32
    %dma_start3A_8 = tpu.memref_slice %arg2[%dma_start3A] : memref<102400000xf32, #tpu.memory_space<hbm>> -> memref<102400000xf32, #tpu.memory_space<hbm>>
    tpu.enqueue_indirect_dma source(%dma_start3A_8 : memref<102400000xf32, #tpu.memory_space<hbm>>) target(%arg9 : memref<8192xf32, #tpu.memory_space<vmem>>) offsets(%arg8 : memref<8192xi32, #tpu.memory_space<vmem>>) semaphore(%arg10 : memref<!tpu.dma_semaphore, #tpu.memory_space<semaphore_mem>>)
    %dma_wait3A = arith.constant 0 : i32
    %dma_wait3A_9 = tpu.memref_slice %arg2[%dma_wait3A] : memref<102400000xf32, #tpu.memory_space<hbm>> -> memref<102400000xf32, #tpu.memory_space<hbm>>
    tpu.wait_indirect_dma semaphore(%arg10 : memref<!tpu.dma_semaphore, #tpu.memory_space<semaphore_mem>>) src(%dma_wait3A_9 : memref<102400000xf32, #tpu.memory_space<hbm>>) dst(%arg9 : memref<8192xf32, #tpu.memory_space<vmem>>)
    %mul3A_10 = arith.constant 8192 : i32
    %mul3A_11 = arith.muli %add3A, %mul3A_10 : i32
    "tpu.region"() ({
      %run_scoped3A = tpu.sem_alloc : memref<!tpu.dma_semaphore, #tpu.memory_space<semaphore_mem>>
      %dma_start3A_12 = tpu.memref_slice %arg5[%mul3A_11] : memref<262144xf32, #tpu.memory_space<hbm>> -> memref<8192xf32, #tpu.memory_space<hbm>>
      %dma_start3A_13 = tpu.memref_slice %arg5[%mul3A_11] : memref<262144xf32, #tpu.memory_space<hbm>> -> memref<8192xf32, #tpu.memory_space<hbm>>
      tpu.enqueue_dma source(%arg9 : memref<8192xf32, #tpu.memory_space<vmem>>) target(%dma_start3A_13 : memref<8192xf32, #tpu.memory_space<hbm>>) target_semaphore(%run_scoped3A : memref<!tpu.dma_semaphore, #tpu.memory_space<semaphore_mem>>)
      %dma_wait3A_14 = tpu.memref_slice %arg5[%mul3A_11] : memref<262144xf32, #tpu.memory_space<hbm>> -> memref<8192xf32, #tpu.memory_space<hbm>>
      %dma_wait3A_15 = tpu.memref_slice %arg5[%mul3A_11] : memref<262144xf32, #tpu.memory_space<hbm>> -> memref<8192xf32, #tpu.memory_space<hbm>>
      tpu.wait_dma2 semaphore(%run_scoped3A : memref<!tpu.dma_semaphore, #tpu.memory_space<semaphore_mem>>) src(%arg9 : memref<8192xf32, #tpu.memory_space<vmem>>) dst(%dma_wait3A_15 : memref<8192xf32, #tpu.memory_space<hbm>>)
      tpu.yield
    }) : () -> ()
    return
  }
}

</mosaic_0001>

<sc_bundles>
// kernel: kernel.3.cloned.1.call-start
scs
__scs_entry_jumppad:
0x0: {  	(pc) =	sbr.rel $0x88, $3  }
0x1: {  	(tag) =	ssettag $0x0;
	lr =	simm.s32 $0x1  }
0x2: {  	[smem:$0x3F9E] =	sst lr;
	_ =	strace $0xD0000000  }
0x3: {  	_ = 	snop  }
0x4: {  	_ = 	snop  }
0x5: {  	_ = 	snop  }
0x6: {  	_ = 	snop  }
0x7: {  	_ = 	snop  }
__scs_overlays_trampoline_lowered:
0x8: {  	[smem:$0x3FAD] =	sst s0  }
0x9: {  	[smem:$0x3FAE] =	sst s1  }
0xa: {  	[smem:$0x3FAF] =	sst s2  }
0xb: {  	[smem:$0x3FB0] =	sst s3  }
0xc: {  	[smem:$0x3FB1] =	sst s4  }
0xd: {  	[smem:$0x3FB2] =	sst s5  }
0xe: {  	[smem:$0x3FB3] =	sst s6  }
0xf: {  	[smem:$0x3FB4] =	sst s7  }
0x10: {  	[smem:$0x3FB5] =	sst s8  }
0x11: {  	[smem:$0x3FB6] =	sst s9;
	s0 =	simm.s32 @!p0 $0x0  }
0x12: {  	s1 =	sld [smem:$0x3F9C];
	s0 =	simm.s32 @p0 $0x1  }
0x13: {  	[smem:$0x3FB7] =	sst s0;
	s0 =	simm.s32 @!p1 $0x0  }
0x14: {  	s2 =	sld [smem:$0x3F9B];
	s0 =	simm.s32 @p1 $0x1  }
0x15: {  	[smem:$0x3FB8] =	sst s0;
	s0 =	simm.s32 @!p2 $0x0  }
0x16: {  	s3 =	sld [smem:$0x3FDB];
	s0 =	simm.s32 @p2 $0x1  }
0x17: {  	s4 =	simm.s32 $0x1BF5;
	[smem:$0x3FBA] =	sst s0  }
0x18: {  	s0 =	sld [smem:$0x3F9D];
	_ =	swait.ge [sflag:s4], $0x0  }
0x19: {  	s7 =	sld [smem:$0x3F9E]  }
0x1a: {  	s8 =	sadd.s32 $0xFFFFE003, lr  }
0x1b: {  	s9 =	sadd.s32 $0xFFFFFEF7, lr;
	s5 =	simm.s32 $0xFFFFFFFF;
	p2 =	slt.u32 s8, $0xFFFFF086  }
0x1c: {  	p1 =	slt.u32 s9, $0xF7A;
	s5 =	simm.s32 @!p2 $0x0  }
0x1d: {  	s5 =	simm.s32 @p1 $0x1;
	p0 =	seq.s32 s7, s2  }
0x1e: {  	s7 =	smul.u32 @!p0 $0xF7A, s2;
	p2 =	seq.s32 @!p0 s5, $0x0  }
0x1f: {  	s9 =	smul.u32 $0xF7A, s1;
	s8 =	simm.s32 @!p0 $0x1BF5;
	p2 =	por !p2, p0  }
0x20: {  	[sflag:s8] =	ssyncset.s32 @!p0 $0xFFFFF086;
	s6 =	sadd.s32 @!p0 s3, s7;
	s7 =	simm.s32 @!p0 $0x108  }
0x21: {  	s3 =	sadd.s32 s3, s9;
	s6 =	sadd.s32 @!p0 $0x88, s6;
	s7 =	simm.s32 @p2 $0x1082  }
0x22: {  	[simem:s7], [sflag:s8] =	dma.local @!p0 [hbm:s6], $0xF7A  }
0x23: {  	s9 =	sor.u32 $0xD0000000, s2;
	s6 =	simm.s32 $0x108;
	_ =	swait.ge @!p0 [sflag:s8], $0x0  }
0x24: {  	s3 =	sadd.s32 $0x88, s3;
	s6 =	simm.s32 @!p1 $0x1082;
	[sflag:s4] =	ssyncset.s32 $0xFFFFF086  }
0x25: {  	[simem:s6], [sflag:s4] =	dma.local [hbm:s3], $0xF7A  }
0x26: {  	[smem:$0x3F9E] =	sst s1;
	(tag) =	ssettag s2;
	_ =	strace s9  }
0x27: {  	s1 =	sld [smem:$0x3FAE]  }
0x28: {  	s2 =	sld [smem:$0x3FAF]  }
0x29: {  	s4 =	sld [smem:$0x3FB1]  }
0x2a: {  	p0 =	seq.s32 s5, $0x0;
	s5 =	sld [smem:$0x3FB2]  }
0x2b: {  	s6 =	sld [smem:$0x3FB3]  }
0x2c: {  	s7 =	sld [smem:$0x3FB4]  }
0x2d: {  	s3 =	simm.s32 $0x108;
	s8 =	sld [smem:$0x3FB5]  }
0x2e: {  	s3 =	simm.s32 @!p0 $0x1082;
	s9 =	sld [smem:$0x3FB6]  }
0x2f: {  	lr =	sadd.s32 s0, s3;
	s0 =	sld [smem:$0x3FAD]  }
0x30: {  	s3 =	sld [smem:$0x3FB0]  }
0x31: {  	[smem:$0x3FB9] =	sst s10  }
0x32: {  	s10 =	sld [smem:$0x3FB7];
	_ =	sdelay $0x3  }
0x33: {  	p0 =	seq.s32 s10, $0x1;
	s10 =	sld [smem:$0x3FB9];
	_ =	sdelay $0x3  }
0x34: {  	[smem:$0x3FB9] =	sst s10  }
0x35: {  	s10 =	sld [smem:$0x3FB8];
	_ =	sdelay $0x3  }
0x36: {  	p1 =	seq.s32 s10, $0x1;
	s10 =	sld [smem:$0x3FB9];
	_ =	sdelay $0x3  }
0x37: {  	[smem:$0x3FB9] =	sst s10  }
0x38: {  	s10 =	sld [smem:$0x3FBA]  }
0x39: {  	_ = 	snop;
	(pc) =	sbr.ind lr, $3  }
0x3a: {  	_ = 	snop  }
0x3b: {  	_ = 	snop  }
0x3c: {  	p2 =	seq.s32 s10, $0x1;
	s10 =	sld [smem:$0x3FB9]  }
0x3d: {  	_ =	shalt  }
0x3e: {  	_ =	shalt  }
0x3f: {  	_ =	shalt  }
0x40: {  	_ =	shalt  }
0x41: {  	_ =	shalt  }
0x42: {  	_ =	shalt  }
0x43: {  	_ =	shalt  }
0x44: {  	_ =	shalt  }
0x45: {  	_ =	shalt  }
0x46: {  	_ =	shalt  }
0x47: {  	_ =	shalt  }
0x48: {  	_ =	shalt  }
0x49: {  	_ =	shalt  }
0x4a: {  	_ =	shalt  }
0x4b: {  	_ =	shalt  }
0x4c: {  	_ =	shalt  }
0x4d: {  	_ =	shalt  }
0x4e: {  	_ =	shalt  }
0x4f: {  	_ =	shalt  }
0x50: {  	_ =	shalt  }
0x51: {  	_ =	shalt  }
0x52: {  	_ =	shalt  }
0x53: {  	_ =	shalt  }
0x54: {  	_ =	shalt  }
0x55: {  	_ =	shalt  }
0x56: {  	_ =	shalt  }
0x57: {  	_ =	shalt  }
0x58: {  	_ =	shalt  }
0x59: {  	_ =	shalt  }
0x5a: {  	_ =	shalt  }
0x5b: {  	_ =	shalt  }
0x5c: {  	_ =	shalt  }
0x5d: {  	_ =	shalt  }
0x5e: {  	_ =	shalt  }
0x5f: {  	_ =	shalt  }
0x60: {  	_ =	shalt  }
0x61: {  	_ =	shalt  }
0x62: {  	_ =	shalt  }
0x63: {  	_ =	shalt  }
0x64: {  	_ =	shalt  }
0x65: {  	_ =	shalt  }
0x66: {  	_ =	shalt  }
0x67: {  	_ =	shalt  }
0x68: {  	_ =	shalt  }
0x69: {  	_ =	shalt  }
0x6a: {  	_ =	shalt  }
0x6b: {  	_ =	shalt  }
0x6c: {  	_ =	shalt  }
0x6d: {  	_ =	shalt  }
0x6e: {  	_ =	shalt  }
0x6f: {  	_ =	shalt  }
0x70: {  	_ =	shalt  }
0x71: {  	_ =	shalt  }
0x72: {  	_ =	shalt  }
0x73: {  	_ =	shalt  }
0x74: {  	_ =	shalt  }
0x75: {  	_ =	shalt  }
0x76: {  	_ =	shalt  }
0x77: {  	_ =	shalt  }
0x78: {  	_ =	shalt  }
0x79: {  	_ =	shalt  }
0x7a: {  	_ =	shalt  }
0x7b: {  	_ =	shalt  }
0x7c: {  	_ =	shalt  }
0x7d: {  	_ =	shalt  }
0x7e: {  	_ =	shalt  }
0x7f: {  	_ =	shalt  }
0x80: {  	_ =	shalt  }
0x81: {  	_ =	shalt  }
0x82: {  	_ =	shalt  }
0x83: {  	_ =	shalt  }
0x84: {  	_ =	shalt  }
0x85: {  	_ =	shalt  }
0x86: {  	_ =	shalt  }
0x87: {  	_ =	shalt  }
.Lfunc_end0:
.L_simem_size_0:
called_computation_lowered:
.L_overlay_start_0:
0x88: {  	s2 =	sld [smem:$0x3FD9]  }
0x89: {  	s3 =	sld [smem:$0x3FFE];
	_ =	sdelay $0x1  }
0x8a: {  	s1 =	srdreg.scid  }
0x8b: {  	s0 =	sand.u32 $0x1, s1  }
0x8c: {  	s17 =	sshll.u32 s0, $0xA;
	s2 =	sadd.s32 s3, s2  }
0x8d: {  	s2 =	sadd.s32 s2, s17  }
0x8e: {  	[smem:$0x3FC5] =	sst s2  }
0x8f: {  	_ = 	snop  }
0x90: {  	s2 =	sld [smem:$0x3FC8]  }
0x91: {  	s18 =	sld [smem:$0x3FC7]  }
0x92: {  	s4 =	sld [smem:$0x3FD0];
	(tm) =	ssettm $0x1  }
0x93: {  	s5 =	sld [smem:$0x3FFB];
	_ =	sdelay $0x3  }
0x94: {  	_ =	strace s5  }
0x95: {  	s5 =	sld [smem:$0x3FFC];
	_ =	sdelay $0x3  }
0x96: {  	_ =	strace s5  }
0x97: {  	s5 =	sld [smem:$0x3FFD];
	_ =	sdelay $0x3  }
0x98: {  	_ =	strace s5  }
0x99: {  	_ =	strace $0x8FFFFFFF  }
0x9a: {  	s19 =	sld [smem:$0x3FDB];
	_ =	sdelay $0x1  }
0x9b: {  	s6 =	simm.s32 $_scs_section_size  }
0x9c: {  	s7 =	simm.s32 $_size__tile_overlayer_lowered;
	s8 =	simm.s32 $_tile_overlayer_lowered  }
0x9d: {  	s22 =	simm.s32 $0x1BFF;
	s21 =	sshll.u32 s8, $0x1;
	s5 =	sadd.s32 s6, s19  }
0x9e: {  	s9 =	simm.s32 $0x0;
	s20 =	sshll.u32 s7, $0x1;
	s7 =	sadd.s32 s21, s5  }
0x9f: {  	[timem:s9], [sflag:s22] =	dma.local [hbm:s7], s20  }
0xa0: {  	_ =	swait.ge [sflag:s22], s20  }
0xa1: {  	s6 =	ssub.s32 $0x0, s20;
	[sflag:s22] =	ssyncset.done $0x0  }
0xa2: {  	[sflag:s22] =	ssyncadd.s32 s6;
	_ =	sdelay $0x1  }
0xa3: {  	s23 =	simm.s32 $0x1B8B  }
0xa4: {  	_ =	swait.ge [sflag:s23], $0x1  }
0xa5: {  	[sflag:s23] =	ssyncset.done $0x0  }
0xa6: {  	s25 =	simm.s32 $0x1B8E;
	s24 =	sld [smem:$0x3FFE];
	[sflag:s23] =	ssyncadd.s32 $0xFFFFFFFF  }
0xa7: {  	s26 =	simm.s32 $execute0_lowered;
	[smem:$0x3FD2] =	sst s25  }
0xa8: {  	s7 =	sshll.u32 s26, $0x1;
	_ =	strace $0x80000046;
	[dreg:$0x1] =	wrdreg $0xFFFFFFFF  }
0xa9: {  	s28 =	simm.s32 $_size_execute0_lowered;
	s5 =	sadd.s32 s5, s7;
	[dreg:$0x0] =	wrdreg $0x0  }
0xaa: {  	s7 =	sshll.u32 s28, $0x1;
	[dreg:$0x2] =	wrdreg s5  }
0xab: {  	[dreg:$0x3] =	wrdreg s7  }
0xac: {  	[dreg:$0x4] =	wrdreg $0xC0  }
0xad: {  	_ =	task [dreg:s9], $0x5FFFF  }
0xae: {  	[dreg:$0x1] =	wrdreg $0xFFFFFFFF  }
0xaf: {  	[dreg:$0x0] =	wrdreg $0x60  }
0xb0: {  	[dreg:$0x2] =	wrdreg s24  }
0xb1: {  	[dreg:$0x3] =	wrdreg s2  }
0xb2: {  	[dreg:$0x4] =	wrdreg s18  }
0xb3: {  	[dreg:$0x5] =	wrdreg s4  }
0xb4: {  	[dreg:$0x6] =	wrdreg $0x9  }
0xb5: {  	_ =	task.clear_ibuf [dreg:s9], $0x7FFFF;
	_ =	strace $0x90000046  }
0xb6: {  	s29 =	simm.s32 $0x9;
	_ =	strace $0x80000048  }
0xb7: {  	_ =	swait.ge [sflag:s29], $0x1  }
0xb8: {  	[sflag:s29] =	ssyncadd.s32 $0xFFFFFFFF  }
0xb9: {  	_ =	strace $0x90000048  }
0xba: {  	_ =	sfence  }
0xbb: {  	s30 =	sld [smem:$0x0];
	_ =	sdelay $0x2  }
0xbc: {  	s31 =	sshll.u32 s1, $0xD;
	s1 =	sshrl.u32 s1, $0x2  }
0xbd: {  	s3 =	sand.u32 $0x4000, s31;
	s1 =	sadd.s32 s1, s30  }
0xbe: {  	s0 =	sor.u32 s3, s0;
	s1 =	sshll.u32 s1, $0x11  }
0xbf: {  	s0 =	sor.u32 s1, s0  }
0xc0: {  	s0 =	sadd.s32 $0x8F2B, s0  }
0xc1: {  	[sflag:s0] =	ssyncadd.remote.s32 $0x1  }
0xc2: {  	_ =	sfence.sel $0xFFFF  }
0xc3: {  	[dreg:$0x0] =	wrdreg $0xFFFFFFFF;
	(pc) =	sbr.abs _section_cstart, $3  }
0xc4: {  	[dreg:$0x1] =	wrdreg $0xFFFFFFFF  }
0xc5: {  	_ =	task.clear_ibuf [dreg:s9], $0x2FFFF;
	_ =	strace $0x9FFFFFFF  }
0xc6: {  	(tm) =	ssettm $0x7FFFFFFF  }
0xc7: {  	_ =	shalt  }
tec
execute0_lowered:
.L_overlay_start_1:
0x0: {  	(tag) =	ssettag $0x1  }
0x1: {  	s3 =	rddreg [dreg:$0x0]  }
0x2: {  	s4 =	rddreg [dreg:$0x1]  }
0x3: {  	s5 =	rddreg [dreg:$0x2]  }
0x4: {  	s6 =	rddreg [dreg:$0x3]  }
0x5: {  	s0 =	rddreg [dreg:$0x4];
	s7 =	srdreg.scid  }
0x6: {  	s2 =	simm.s32 $0x0;
	s1 =	stileid.u32;
	s11 =	simm.s32 $0x400  }
0x7: {  	s12 =	simm.s32 $0x2400;
	s13 =	simm.s32 $0x1;
	s14 =	simm.s32 $0x0  }
0x8: {  	s7 =	sand.u32 $0x1, s7;
	[smem:$0x7FF] =	sst s2;
	s9 =	sshll.u32 s1, $0x1  }
0x9: {  	s3 =	sadd.s32 $0x186A400, s3;
	s8 =	ssub.s32 $0x2, s7;
	s7 =	sor.u32 s7, s9  }
0xa: {  	_ =	strace $0x80000047;
	s10 =	sshrl.u32 s8, $0x1;
	s9 =	sshll.u32 s7, $0x6  }
0xb: {  	s7 =	sshll.u32 s7, $0xA;
	s8 =	ssub.s32 s8, s10;
	s4 =	sadd.s32 s4, s9  }
0xc: {  	v0 =	vlaneseq.u32;
	s5 =	sadd.s32 s5, s9;
	s6 =	sadd.s32 s6, s7;
	s9 =	simm.s32 $0x200  }
0xd: {  	v0 =	vmul.u32 $0x40, v0;
	s10 =	simm.s32 $0x2000;
	s7 =	smax.u32 s8, $0x1;
	s8 =	simm.s32 $0x2  }
.LBB2_1:
0xe: {  	[tilespmem:s2], [sflag:$0x2] =	stream.linear.gather [hbm4b:s4+s2], $0x200, $0x38;
	[tilespmem:$0x4400] =	vst v63  }
0xf: {  	_ =	swait.ge [sflag:s8], $0x200  }
0x10: {  	[sflag:s8] =	ssyncset.done $0x0  }
0x11: {  	[sflag:s8] =	ssyncadd.s32 $0xFFFFFE00  }
0x12: {  	[tilespmem:s9], [sflag:$0x2] =	stream.linear.gather [hbm4b:s5+s2], $0x200, $0x38;
	[tilespmem:$0x4400] =	vst v63  }
0x13: {  	_ =	swait.ge [sflag:s8], $0x200  }
0x14: {  	[sflag:s8] =	ssyncset.done $0x0  }
0x15: {  	s15 =	simm.s32 $0x0;
	[sflag:s8] =	ssyncadd.s32 $0xFFFFFE00  }
0x16: {  	v1 =	vld [tilespmem:s15+$0x0]  }
0x17: {  	v2 =	vld [tilespmem:s15+$0x200];
	_ =	sdelay $0x3  }
0x18: {  	v1 =	vshll.u32 v1, $0xA  }
0x19: {  	v1 =	vadd.s32 v2, v1  }
0x1a: {  	v2 =	vbroadcast v1, $0xF  }
0x1b: {  	v3 =	vbroadcast v1, $0xE  }
0x1c: {  	s15 =	simm.s32 $0x480;
	v4 =	vbroadcast v1, $0xD;
	v2 =	vadd.s32 v0, v2  }
0x1d: {  	v5 =	vbroadcast v1, $0xC;
	v3 =	vadd.s32 v0, v3;
	[tilespmem:s15+$0x70] =	vst v2  }
0x1e: {  	v59 =	vbroadcast v1, $0x9;
	v4 =	vadd.s32 v0, v4;
	[tilespmem:s15+$0x60] =	vst v3  }
0x1f: {  	v60 =	vbroadcast v1, $0x8;
	v5 =	vadd.s32 v0, v5;
	[tilespmem:s15+$0x50] =	vst v4  }
0x20: {  	v2 =	vbroadcast v1, $0xB;
	[tilespmem:s15+$0x40] =	vst v5;
	v4 =	vadd.s32 v0, v59  }
0x21: {  	v3 =	vbroadcast v1, $0xA;
	v5 =	vadd.s32 v0, v60;
	[tilespmem:s15+$0x10] =	vst v4  }
0x22: {  	v61 =	vbroadcast v1, $0x5;
	[tilespmem:s15+$0x0] =	vst v5;
	v2 =	vadd.s32 v0, v2  }
0x23: {  	v3 =	vadd.s32 v0, v3;
	[tilespmem:s15+$0x30] =	vst v2;
	v2 =	vbroadcast v1, $0x7  }
0x24: {  	v4 =	vadd.s32 v0, v61;
	[tilespmem:s15+$0x20] =	vst v3;
	v3 =	vbroadcast v1, $0x6  }
0x25: {  	v62 =	vbroadcast v1, $0x4;
	[tilespmem:s15+$0xFFFFFFD0] =	vst v4;
	v2 =	vadd.s32 v0, v2  }
0x26: {  	v3 =	vadd.s32 v0, v3;
	[tilespmem:s15+$0xFFFFFFF0] =	vst v2;
	v2 =	vbroadcast v1, $0x3  }
0x27: {  	v5 =	vadd.s32 v0, v62;
	[tilespmem:s15+$0xFFFFFFE0] =	vst v3;
	v3 =	vbroadcast v1, $0x2  }
0x28: {  	v63 =	vbroadcast v1, $0x1;
	[tilespmem:s15+$0xFFFFFFC0] =	vst v5;
	v1 =	vbroadcast v1, $0x0;
	v2 =	vadd.s32 v0, v2  }
0x29: {  	v3 =	vadd.s32 v0, v3;
	[tilespmem:s15+$0xFFFFFFB0] =	vst v2  }
0x2a: {  	v1 =	vadd.s32 v0, v1;
	[tilespmem:s15+$0xFFFFFFA0] =	vst v3  }
0x2b: {  	v2 =	vadd.s32 v0, v63;
	[tilespmem:s15+$0xFFFFFF80] =	vst v1  }
0x2c: {  	s17 =	simm.s32 $0x10;
	s16 =	simm.s32 $0x80;
	[tilespmem:s15+$0xFFFFFF90] =	vst v2  }
.LBB2_2:
0x2d: {  	p0 =	sne.s32 s16, $0x7C0;
	v1 =	vld [tilespmem:s17+$0x0]  }
0x2e: {  	v2 =	vld [tilespmem:s17+$0x200];
	_ =	sdelay $0x3  }
0x2f: {  	v1 =	vshll.u32 v1, $0xA  }
0x30: {  	v1 =	vadd.s32 v2, v1  }
0x31: {  	v2 =	vbroadcast v1, $0xE;
	v3 =	vbroadcast v1, $0xF  }
0x32: {  	v4 =	vbroadcast v1, $0xC;
	v5 =	vbroadcast v1, $0xD  }
0x33: {  	s15 =	sadd.s32 $0x100, s15;
	v6 =	vbroadcast v1, $0xB;
	v2 =	vadd.s32 v0, v2;
	v3 =	vadd.s32 v0, v3  }
0x34: {  	v7 =	vbroadcast v1, $0xA;
	v4 =	vadd.s32 v0, v4;
	v5 =	vadd.s32 v0, v5;
	[tilespmem:s15+$0x70] =	vst v3  }
0x35: {  	v8 =	vbroadcast v1, $0x9;
	v6 =	vadd.s32 v0, v6;
	v3 =	vbroadcast v1, $0x8;
	[tilespmem:s15+$0x60] =	vst v2  }
0x36: {  	v9 =	vbroadcast v1, $0x7;
	v7 =	vadd.s32 v0, v7;
	v2 =	vbroadcast v1, $0x6;
	[tilespmem:s15+$0x50] =	vst v5  }
0x37: {  	v8 =	vadd.s32 v0, v8;
	v5 =	vbroadcast v1, $0x5;
	v3 =	vadd.s32 v0, v3;
	[tilespmem:s15+$0x40] =	vst v4  }
0x38: {  	v9 =	vadd.s32 v0, v9;
	v4 =	vbroadcast v1, $0x4;
	v2 =	vadd.s32 v0, v2;
	[tilespmem:s15+$0x30] =	vst v6  }
0x39: {  	v10 =	vbroadcast v1, $0x3;
	v6 =	vbroadcast v1, $0x2;
	v5 =	vadd.s32 v0, v5;
	[tilespmem:s15+$0x20] =	vst v7  }
0x3a: {  	v7 =	vbroadcast v1, $0x0;
	v1 =	vbroadcast v1, $0x1;
	v4 =	vadd.s32 v0, v4;
	[tilespmem:s15+$0x10] =	vst v8  }
0x3b: {  	v6 =	vadd.s32 v0, v6;
	v8 =	vadd.s32 v0, v10;
	[tilespmem:s15+$0x0] =	vst v3  }
0x3c: {  	v3 =	vadd.s32 v0, v7;
	v1 =	vadd.s32 v0, v1;
	[tilespmem:s15+$0xFFFFFFF0] =	vst v9  }
0x3d: {  	[tilespmem:s15+$0xFFFFFFE0] =	vst v2  }
0x3e: {  	[tilespmem:s15+$0xFFFFFFD0] =	vst v5  }
.Ltmp0:
0x3f: {  	[tilespmem:s15+$0xFFFFFFC0] =	vst v4;
	(pc) =	sbr.rel @p0 .LBB2_2-.Ltmp0, $4  }
0x40: {  	[tilespmem:s15+$0xFFFFFFB0] =	vst v8  }
0x41: {  	[tilespmem:s15+$0xFFFFFFA0] =	vst v6  }
0x42: {  	[tilespmem:s15+$0xFFFFFF90] =	vst v1  }
0x43: {  	s17 =	sshra.s32 s16, $0x2;
	s16 =	sadd.s32 $0x40, s16;
	[tilespmem:s15+$0xFFFFFF80] =	vst v3  }
0x44: {  	v1 =	vld [tilespmem:s17+$0x0]  }
0x45: {  	v2 =	vld [tilespmem:s17+$0x200];
	_ =	sdelay $0x3  }
0x46: {  	v1 =	vshll.u32 v1, $0xA  }
0x47: {  	v1 =	vadd.s32 v2, v1  }
0x48: {  	v2 =	vbroadcast v1, $0xF  }
0x49: {  	v3 =	vbroadcast v1, $0xE  }
0x4a: {  	s15 =	sadd.s32 $0x100, s15;
	v4 =	vbroadcast v1, $0xD;
	v2 =	vadd.s32 v0, v2  }
0x4b: {  	v5 =	vbroadcast v1, $0xC;
	v3 =	vadd.s32 v0, v3;
	[tilespmem:s15+$0x70] =	vst v2  }
0x4c: {  	v59 =	vbroadcast v1, $0x9;
	v4 =	vadd.s32 v0, v4;
	[tilespmem:s15+$0x60] =	vst v3  }
0x4d: {  	v60 =	vbroadcast v1, $0x8;
	v5 =	vadd.s32 v0, v5;
	[tilespmem:s15+$0x50] =	vst v4  }
0x4e: {  	v2 =	vbroadcast v1, $0xB;
	[tilespmem:s15+$0x40] =	vst v5;
	v4 =	vadd.s32 v0, v59  }
0x4f: {  	v3 =	vbroadcast v1, $0xA;
	v5 =	vadd.s32 v0, v60;
	[tilespmem:s15+$0x10] =	vst v4  }
0x50: {  	v61 =	vbroadcast v1, $0x5;
	[tilespmem:s15+$0x0] =	vst v5;
	v2 =	vadd.s32 v0, v2  }
0x51: {  	v3 =	vadd.s32 v0, v3;
	[tilespmem:s15+$0x30] =	vst v2;
	v2 =	vbroadcast v1, $0x7  }
0x52: {  	v4 =	vadd.s32 v0, v61;
	[tilespmem:s15+$0x20] =	vst v3;
	v3 =	vbroadcast v1, $0x6  }
0x53: {  	v62 =	vbroadcast v1, $0x4;
	[tilespmem:s15+$0xFFFFFFD0] =	vst v4;
	v2 =	vadd.s32 v0, v2  }
0x54: {  	v3 =	vadd.s32 v0, v3;
	[tilespmem:s15+$0xFFFFFFF0] =	vst v2;
	v2 =	vbroadcast v1, $0x3  }
0x55: {  	v5 =	vadd.s32 v0, v62;
	[tilespmem:s15+$0xFFFFFFE0] =	vst v3;
	v3 =	vbroadcast v1, $0x2  }
0x56: {  	v63 =	vbroadcast v1, $0x1;
	[tilespmem:s15+$0xFFFFFFC0] =	vst v5;
	v1 =	vbroadcast v1, $0x0;
	v2 =	vadd.s32 v0, v2  }
0x57: {  	v3 =	vadd.s32 v0, v3;
	[tilespmem:s15+$0xFFFFFFB0] =	vst v2  }
0x58: {  	v1 =	vadd.s32 v0, v1;
	[tilespmem:s15+$0xFFFFFFA0] =	vst v3  }
0x59: {  	v2 =	vadd.s32 v0, v63;
	[tilespmem:s15+$0xFFFFFF80] =	vst v1  }
0x5a: {  	[tilespmem:s15+$0xFFFFFF90] =	vst v2  }
0x5b: {  	[tilespmem:s12], [sflag:$0x1] =	stream.indirect.gather [hbm4b:s3+s10], $0x1, s11, s10, $0xb8;
	[tilespmem:$0x4400] =	vst v63  }
0x5c: {  	s14 =	sadd.s32 $0x1, s14;
	_ =	swait.ge [sflag:s13], $0x2000  }
0x5d: {  	p0 =	sne.s32 s14, s7;
	[sflag:s13] =	ssyncset.done $0x0  }
.Ltmp1:
0x5e: {  	[sflag:s13] =	ssyncadd.s32 $0xFFFFE000;
	(pc) =	sbr.rel @p0 .LBB2_1-.Ltmp1, $4  }
0x5f: {  	[hbm4b:s6+s2] =	stream.linear.scatter [tilespmem:s12], [sflag:$0x2], $0x2000, $0x38;
	[tilespmem:$0x4400] =	vst v63  }
0x60: {  	_ =	swait.ge [sflag:s8], $0x2000  }
0x61: {  	[sflag:s8] =	ssyncset.done $0x0  }
0x62: {  	[sflag:s8] =	ssyncadd.s32 $0xFFFFE000  }
0x63: {  	_ =	sfence.sel $0x180000  }
0x64: {  	[bflag:$0x0] =	sbarrier.arrive $0xFFFF  }
0x65: {  	p0 =	sne.s32 s1, $0x0;
	_ =	strace $0x90000047  }
0x66: {  	s0 =	sadd.s32 @!p0 $0x100000, s0;
	[bflag:$0x2] =	sbarrier.arrive $0xFFFF  }
0x67: {  	[sflag:s0] =	ssyncadd.tile.s32 @!p0 $0x1;
	_ =	shalt  }
.Lfunc_end2:
_tile_overlayer_lowered:
.L_overlay_start_2:
0x68: {  	(tag) =	ssettag $0x2  }
0x69: {  	s0 =	rddreg [dreg:$0x0];
	s2 =	stileid.u32  }
0x6a: {  	s1 =	rddreg [dreg:$0x1];
	p0 =	sne.s32 s2, $0x0  }
0x6b: {  	s3 =	rddreg [dreg:$0x2];
	[bflag:$0x3] =	sbarrier.arrive $0xFFFF;
	s2 =	simm.s32 @!p0 $0x1C02  }
0x6c: {  	[timem:s3], [sflag:s2] =	dma.local @!p0 [hbm:s0], s1  }
0x6d: {  	s0 =	simm.s32 @!p0 $0x2  }
0x6e: {  	_ =	swait.ge @!p0 [sflag:s0], s1  }
0x6f: {  	s1 =	ssub.s32 @!p0 $0x0, s1;
	[sflag:s0] =	ssyncset.done @!p0 $0x0  }
0x70: {  	[sflag:s0] =	ssyncadd.s32 @!p0 s1  }
0x71: {  	[bflag:$0x3] =	sbarrier.arrive $0xFFFF  }
0x72: {  	_ =	shalt  }

</sc_bundles>
